<compile_context>
chip_gen: v7x
topology: tpu7x:2x2x1
jax: 0.10.2.dev20260603
libtpu: 0.0.44.dev20260713+nightly
codegen_flags: <defaults>
</compile_context>

<pallas_src>
import functools

import jax
import jax.numpy as jnp
from jax import lax
from jax.experimental import pallas as pl
from jax.experimental.pallas import tpu as pltpu
from jax.experimental.pallas import tpu_sc as plsc

N_TOK = 16384
N_EMB = 8192
DIM = 32
COMMIT = 0.25

T_BLK = 1024
HALF = N_EMB // 2
N_BLOCKS = N_TOK // T_BLK


def _argmin_body(x_ref, x2_ref, e2_ref, embt_ref, idx_ref, loss_ref, perp_ref,
                 cnt2_ref, lsum_ref):
    pid = pl.program_id(0)

    @pl.when(pid == 0)
    def _init():
        cnt2_ref[...] = jnp.zeros_like(cnt2_ref)
        lsum_ref[...] = jnp.zeros_like(lsum_ref)

    x = x_ref[...]
    x2 = x2_ref[...]

    def half_argmin(c):
        embt_c = embt_ref[:, pl.ds(c * HALF, HALF)]
        e2_c = e2_ref[:, pl.ds(c * HALF, HALF)]
        mm = jax.lax.dot_general(
            x, embt_c, (((1,), (0,)), ((), ())),
            preferred_element_type=jnp.float32)
        d = (x2 + e2_c) - 2.0 * mm
        m = jnp.min(d, axis=1, keepdims=True)
        col = jax.lax.broadcasted_iota(jnp.int32, (T_BLK, HALF), 1)
        i = jnp.min(jnp.where(d == m, col, N_EMB),
                    axis=1, keepdims=True) + c * HALF
        return m, i

    v0, i0 = half_argmin(0)
    v1, i1 = half_argmin(1)
    v0b = v0.astype(jnp.bfloat16).astype(jnp.float32)
    pick1 = v1 < v0b
    run_idx = jnp.where(pick1, i1, i0)
    run_min = jnp.where(pick1, v1, v0)

    idx_ref[...] = run_idx[:, 0]
    lsum_ref[...] += jnp.sum(run_min, axis=(0, 1), keepdims=True)

    hi = run_idx >> 6
    lo = run_idx & 63
    ohh = (hi == jax.lax.broadcasted_iota(jnp.int32, (T_BLK, 128), 1)
           ).astype(jnp.bfloat16)
    ohl = (lo == jax.lax.broadcasted_iota(jnp.int32, (T_BLK, 64), 1)
           ).astype(jnp.bfloat16)
    cnt2_ref[...] += jax.lax.dot_general(
        ohh, ohl, (((0,), (0,)), ((), ())),
        preferred_element_type=jnp.float32)

    @pl.when(pid == N_BLOCKS - 1)
    def _epilogue():
        p = cnt2_ref[...] * (1.0 / N_TOK)
        ent = jnp.sum(p * jnp.log(p + 1e-10), axis=(0, 1), keepdims=True)
        perp_ref[...] = jnp.exp(-ent)
        loss_ref[...] = COMMIT * (lsum_ref[...] * (1.0 / (N_TOK * DIM)))


def _argmin_call(x, x2, e2, embt):
    return pl.pallas_call(
        _argmin_body,
        grid=(N_BLOCKS,),
        in_specs=[
            pl.BlockSpec((T_BLK, DIM), lambda i: (i, 0)),
            pl.BlockSpec((T_BLK, 1), lambda i: (i, 0)),
            pl.BlockSpec((1, N_EMB), lambda i: (0, 0)),
            pl.BlockSpec((DIM, N_EMB), lambda i: (0, 0)),
        ],
        out_specs=[
            pl.BlockSpec((T_BLK,), lambda i: (i,)),
            pl.BlockSpec((1, 1), lambda i: (0, 0)),
            pl.BlockSpec((1, 1), lambda i: (0, 0)),
        ],
        out_shape=[
            jax.ShapeDtypeStruct((N_TOK,), jnp.int32),
            jax.ShapeDtypeStruct((1, 1), jnp.float32),
            jax.ShapeDtypeStruct((1, 1), jnp.float32),
        ],
        scratch_shapes=[
            pltpu.VMEM((128, 64), jnp.float32),
            pltpu.VMEM((1, 1), jnp.float32),
        ],
    )(x, x2, e2, embt)


_SC_CORES = 2
_SC_SUBCORES = 16
_NW = _SC_CORES * _SC_SUBCORES
_B_PER_W = N_TOK // _NW
_G_CHUNK = 128
_N_G = _B_PER_W // _G_CHUNK
_DPAD = 128


def _gather_body(emb_hbm, idx_hbm, out_hbm, idx_v, rows_v, sem):
    wid = lax.axis_index("s") * _SC_CORES + lax.axis_index("c")
    base = wid * _B_PER_W
    pltpu.sync_copy(idx_hbm.at[pl.ds(base, _B_PER_W)], idx_v)
    copies = []
    for j in range(_N_G):
        copies.append(pltpu.async_copy(
            emb_hbm.at[idx_v.at[pl.ds(j * _G_CHUNK, _G_CHUNK)]],
            rows_v.at[pl.ds(j * _G_CHUNK, _G_CHUNK)], sem))
    for c in copies:
        c.wait()
    pltpu.sync_copy(rows_v, out_hbm.at[pl.ds(base, _B_PER_W)])


@functools.lru_cache(maxsize=1)
def _make_sc_gather():
    return pl.kernel(
        _gather_body,
        mesh=plsc.VectorSubcoreMesh(core_axis_name="c", subcore_axis_name="s"),
        out_type=jax.ShapeDtypeStruct((N_TOK, _DPAD), jnp.float32),
        scratch_types=[
            pltpu.VMEM((_B_PER_W,), jnp.int32),
            pltpu.VMEM((_B_PER_W, _DPAD), jnp.float32),
            pltpu.SemaphoreType.DMA,
        ],
    )


def kernel(inputs, embedding):
    x2 = jnp.sum(inputs ** 2, axis=1, keepdims=True)
    e2 = jnp.sum(embedding ** 2, axis=1)
    idx, loss, perp = _argmin_call(inputs.astype(jnp.bfloat16), x2,
                                   e2.reshape(1, N_EMB),
                                   embedding.T.astype(jnp.bfloat16))
    emb_pad = jnp.pad(embedding, ((0, 0), (0, _DPAD - DIM)))
    quantized = _make_sc_gather()(emb_pad, idx)[:, :DIM]
    quantized_st = inputs + jax.lax.stop_gradient(quantized - inputs)
    return quantized_st, loss[0, 0], perp[0, 0]

# --- scband reference (transcript-rebuilt; emitter-appended) ---
"""Pipeline reference for scband-vector-quantizer-ema-49082886259004 (READ-ONLY COPY).

The authoritative reference and input builder live on the scoring server;
editing this copy changes nothing except your own understanding.
"""

import jax, jax.numpy as jnp
import numpy as np

NUM_EMBEDDINGS = 8192
EMBEDDING_DIM = 32
N_TOKENS = 16384
COMMITMENT_COST = 0.25


def setup_inputs(seed: int = 0) -> dict:
    key = jax.random.key(seed)
    k1, k2 = jax.random.split(key)
    inputs = jax.random.normal(k1, (N_TOKENS, EMBEDDING_DIM), dtype=jnp.float32)
    embedding = jax.random.normal(k2, (NUM_EMBEDDINGS, EMBEDDING_DIM), dtype=jnp.float32)
    return {"inputs": inputs, "embedding": embedding}


def reference(inputs, embedding):
    # distances[i, j] = ||inputs_i||^2 + ||embedding_j||^2 - 2 <inputs_i, embedding_j>
    distances = (jnp.sum(inputs ** 2, axis=1, keepdims=True)
                 + jnp.sum(embedding ** 2, axis=1)
                 - 2.0 * jnp.matmul(inputs, embedding.T))
    encoding_indices = jnp.argmin(distances, axis=1)
    # one-hot encodings via scatter-overwrite (faithful to torch scatter_)
    n = inputs.shape[0]
    encodings = jnp.zeros((n, NUM_EMBEDDINGS), dtype=inputs.dtype)
    encodings = encodings.at[jnp.arange(n), encoding_indices].set(1.0)
    quantized = jnp.matmul(encodings, embedding)
    # NOTE: EMA buffer updates in the torch module mutate ema_cluster_size/ema_w/embedding
    # AFTER quantized is computed; they do not affect any returned value, so they are
    # omitted from this functional reference.
    e_latent_loss = jnp.mean((jax.lax.stop_gradient(quantized) - inputs) ** 2)
    loss = COMMITMENT_COST * e_latent_loss
    quantized_st = inputs + jax.lax.stop_gradient(quantized - inputs)
    avg_probs = jnp.mean(encodings, axis=0)
    perplexity = jnp.exp(-jnp.sum(avg_probs * jnp.log(avg_probs + 1e-10)))
    return (quantized_st, loss, perplexity)

if __name__ == "__main__":
    import jax
    _d = setup_inputs()
    print(jax.jit(kernel)(*tuple(_d.values())))

</pallas_src>

<mosaic_0001>
#map = affine_map<(d0, d1) -> (0, 0)>
#map1 = affine_map<(d0, d1) -> (0)>
module attributes {stable_mosaic.version = 14 : i64} {
  func.func @_gather_body(%arg0: i32, %arg1: i32, %arg2: memref<8192x128xf32, #tpu.memory_space<hbm>>, %arg3: memref<16384xi32, #tpu.memory_space<hbm>>, %arg4: memref<16384x128xf32, #tpu.memory_space<hbm>>, %arg5: memref<512xi32, #tpu.memory_space<vmem>>, %arg6: memref<512x128xf32, #tpu.memory_space<vmem>>, %arg7: memref<!tpu.dma_semaphore, #tpu.memory_space<semaphore_mem>>) attributes {dimension_semantics = [#tpu.dimension_semantics<core_parallel>, #tpu.dimension_semantics<subcore_parallel>], iteration_bounds = array<i64: 2, 16>, scalar_prefetch = 0 : i64, scratch_operands = 3 : i64, tpu.core_type = #tpu.core_type<sc_vector_subcore>, window_params = [{transform_indices = #map}, {transform_indices = #map1}, {transform_indices = #map}]} {
    %mul3A = arith.constant 2 : i32
    %mul3A_0 = arith.muli %arg1, %mul3A : i32
    %add3A = arith.addi %mul3A_0, %arg0 : i32
    %mul3A_1 = arith.constant 512 : i32
    %mul3A_2 = arith.muli %add3A, %mul3A_1 : i32
    "tpu.region"() ({
      %run_scoped3A = tpu.sem_alloc : memref<!tpu.dma_semaphore, #tpu.memory_space<semaphore_mem>>
      %dma_start3A_65 = tpu.memref_slice %arg3[%mul3A_2] : memref<16384xi32, #tpu.memory_space<hbm>> -> memref<512xi32, #tpu.memory_space<hbm>>
      %dma_start3A_66 = tpu.memref_slice %arg3[%mul3A_2] : memref<16384xi32, #tpu.memory_space<hbm>> -> memref<512xi32, #tpu.memory_space<hbm>>
      tpu.enqueue_dma source(%dma_start3A_66 : memref<512xi32, #tpu.memory_space<hbm>>) target(%arg5 : memref<512xi32, #tpu.memory_space<vmem>>) target_semaphore(%run_scoped3A : memref<!tpu.dma_semaphore, #tpu.memory_space<semaphore_mem>>)
      %dma_wait3A_67 = tpu.memref_slice %arg3[%mul3A_2] : memref<16384xi32, #tpu.memory_space<hbm>> -> memref<512xi32, #tpu.memory_space<hbm>>
      %dma_wait3A_68 = tpu.memref_slice %arg3[%mul3A_2] : memref<16384xi32, #tpu.memory_space<hbm>> -> memref<512xi32, #tpu.memory_space<hbm>>
      tpu.wait_dma2 semaphore(%run_scoped3A : memref<!tpu.dma_semaphore, #tpu.memory_space<semaphore_mem>>) src(%dma_wait3A_68 : memref<512xi32, #tpu.memory_space<hbm>>) dst(%arg5 : memref<512xi32, #tpu.memory_space<vmem>>)
      tpu.yield
    }) : () -> ()
    %dma_start3A = arith.constant 0 : i32
    %dma_start3A_3 = arith.constant 0 : i32
    %dma_start3A_4 = tpu.memref_slice %arg6[%dma_start3A, %dma_start3A_3] : memref<512x128xf32, #tpu.memory_space<vmem>> -> memref<128x128xf32, #tpu.memory_space<vmem>>
    %dma_start3A_5 = arith.constant 0 : i32
    %dma_start3A_6 = tpu.memref_slice %arg5[%dma_start3A_5] : memref<512xi32, #tpu.memory_space<vmem>> -> memref<128xi32, #tpu.memory_space<vmem>>
    %dma_start3A_7 = arith.constant 0 : i32
    %dma_start3A_8 = arith.constant 0 : i32
    %dma_start3A_9 = tpu.memref_slice %arg2[%dma_start3A_7, %dma_start3A_8] : memref<8192x128xf32, #tpu.memory_space<hbm>> -> memref<8192x128xf32, #tpu.memory_space<hbm>>
    tpu.enqueue_indirect_dma source(%dma_start3A_9 : memref<8192x128xf32, #tpu.memory_space<hbm>>) target(%dma_start3A_4 : memref<128x128xf32, #tpu.memory_space<vmem>>) offsets(%dma_start3A_6 : memref<128xi32, #tpu.memory_space<vmem>>) semaphore(%arg7 : memref<!tpu.dma_semaphore, #tpu.memory_space<semaphore_mem>>)
    %dma_start3A_10 = arith.constant 128 : i32
    %dma_start3A_11 = arith.constant 0 : i32
    %dma_start3A_12 = tpu.memref_slice %arg6[%dma_start3A_10, %dma_start3A_11] : memref<512x128xf32, #tpu.memory_space<vmem>> -> memref<128x128xf32, #tpu.memory_space<vmem>>
    %dma_start3A_13 = arith.constant 128 : i32
    %dma_start3A_14 = tpu.memref_slice %arg5[%dma_start3A_13] : memref<512xi32, #tpu.memory_space<vmem>> -> memref<128xi32, #tpu.memory_space<vmem>>
    %dma_start3A_15 = arith.constant 0 : i32
    %dma_start3A_16 = arith.constant 0 : i32
    %dma_start3A_17 = tpu.memref_slice %arg2[%dma_start3A_15, %dma_start3A_16] : memref<8192x128xf32, #tpu.memory_space<hbm>> -> memref<8192x128xf32, #tpu.memory_space<hbm>>
    tpu.enqueue_indirect_dma source(%dma_start3A_17 : memref<8192x128xf32, #tpu.memory_space<hbm>>) target(%dma_start3A_12 : memref<128x128xf32, #tpu.memory_space<vmem>>) offsets(%dma_start3A_14 : memref<128xi32, #tpu.memory_space<vmem>>) semaphore(%arg7 : memref<!tpu.dma_semaphore, #tpu.memory_space<semaphore_mem>>)
    %dma_start3A_18 = arith.constant 256 : i32
    %dma_start3A_19 = arith.constant 0 : i32
    %dma_start3A_20 = tpu.memref_slice %arg6[%dma_start3A_18, %dma_start3A_19] : memref<512x128xf32, #tpu.memory_space<vmem>> -> memref<128x128xf32, #tpu.memory_space<vmem>>
    %dma_start3A_21 = arith.constant 256 : i32
    %dma_start3A_22 = tpu.memref_slice %arg5[%dma_start3A_21] : memref<512xi32, #tpu.memory_space<vmem>> -> memref<128xi32, #tpu.memory_space<vmem>>
    %dma_start3A_23 = arith.constant 0 : i32
    %dma_start3A_24 = arith.constant 0 : i32
    %dma_start3A_25 = tpu.memref_slice %arg2[%dma_start3A_23, %dma_start3A_24] : memref<8192x128xf32, #tpu.memory_space<hbm>> -> memref<8192x128xf32, #tpu.memory_space<hbm>>
    tpu.enqueue_indirect_dma source(%dma_start3A_25 : memref<8192x128xf32, #tpu.memory_space<hbm>>) target(%dma_start3A_20 : memref<128x128xf32, #tpu.memory_space<vmem>>) offsets(%dma_start3A_22 : memref<128xi32, #tpu.memory_space<vmem>>) semaphore(%arg7 : memref<!tpu.dma_semaphore, #tpu.memory_space<semaphore_mem>>)
    %dma_start3A_26 = arith.constant 384 : i32
    %dma_start3A_27 = arith.constant 0 : i32
    %dma_start3A_28 = tpu.memref_slice %arg6[%dma_start3A_26, %dma_start3A_27] : memref<512x128xf32, #tpu.memory_space<vmem>> -> memref<128x128xf32, #tpu.memory_space<vmem>>
    %dma_start3A_29 = arith.constant 384 : i32
    %dma_start3A_30 = tpu.memref_slice %arg5[%dma_start3A_29] : memref<512xi32, #tpu.memory_space<vmem>> -> memref<128xi32, #tpu.memory_space<vmem>>
    %dma_start3A_31 = arith.constant 0 : i32
    %dma_start3A_32 = arith.constant 0 : i32
    %dma_start3A_33 = tpu.memref_slice %arg2[%dma_start3A_31, %dma_start3A_32] : memref<8192x128xf32, #tpu.memory_space<hbm>> -> memref<8192x128xf32, #tpu.memory_space<hbm>>
    tpu.enqueue_indirect_dma source(%dma_start3A_33 : memref<8192x128xf32, #tpu.memory_space<hbm>>) target(%dma_start3A_28 : memref<128x128xf32, #tpu.memory_space<vmem>>) offsets(%dma_start3A_30 : memref<128xi32, #tpu.memory_space<vmem>>) semaphore(%arg7 : memref<!tpu.dma_semaphore, #tpu.memory_space<semaphore_mem>>)
    %dma_wait3A = arith.constant 0 : i32
    %dma_wait3A_34 = arith.constant 0 : i32
    %dma_wait3A_35 = tpu.memref_slice %arg6[%dma_wait3A, %dma_wait3A_34] : memref<512x128xf32, #tpu.memory_space<vmem>> -> memref<128x128xf32, #tpu.memory_space<vmem>>
    %dma_wait3A_36 = arith.constant 0 : i32
    %dma_wait3A_37 = tpu.memref_slice %arg5[%dma_wait3A_36] : memref<512xi32, #tpu.memory_space<vmem>> -> memref<128xi32, #tpu.memory_space<vmem>>
    %dma_wait3A_38 = arith.constant 0 : i32
    %dma_wait3A_39 = arith.constant 0 : i32
    %dma_wait3A_40 = tpu.memref_slice %arg2[%dma_wait3A_38, %dma_wait3A_39] : memref<8192x128xf32, #tpu.memory_space<hbm>> -> memref<8192x128xf32, #tpu.memory_space<hbm>>
    tpu.wait_indirect_dma semaphore(%arg7 : memref<!tpu.dma_semaphore, #tpu.memory_space<semaphore_mem>>) src(%dma_wait3A_40 : memref<8192x128xf32, #tpu.memory_space<hbm>>) dst(%dma_wait3A_35 : memref<128x128xf32, #tpu.memory_space<vmem>>)
    %dma_wait3A_41 = arith.constant 128 : i32
    %dma_wait3A_42 = arith.constant 0 : i32
    %dma_wait3A_43 = tpu.memref_slice %arg6[%dma_wait3A_41, %dma_wait3A_42] : memref<512x128xf32, #tpu.memory_space<vmem>> -> memref<128x128xf32, #tpu.memory_space<vmem>>
    %dma_wait3A_44 = arith.constant 128 : i32
    %dma_wait3A_45 = tpu.memref_slice %arg5[%dma_wait3A_44] : memref<512xi32, #tpu.memory_space<vmem>> -> memref<128xi32, #tpu.memory_space<vmem>>
    %dma_wait3A_46 = arith.constant 0 : i32
    %dma_wait3A_47 = arith.constant 0 : i32
    %dma_wait3A_48 = tpu.memref_slice %arg2[%dma_wait3A_46, %dma_wait3A_47] : memref<8192x128xf32, #tpu.memory_space<hbm>> -> memref<8192x128xf32, #tpu.memory_space<hbm>>
    tpu.wait_indirect_dma semaphore(%arg7 : memref<!tpu.dma_semaphore, #tpu.memory_space<semaphore_mem>>) src(%dma_wait3A_48 : memref<8192x128xf32, #tpu.memory_space<hbm>>) dst(%dma_wait3A_43 : memref<128x128xf32, #tpu.memory_space<vmem>>)
    %dma_wait3A_49 = arith.constant 256 : i32
    %dma_wait3A_50 = arith.constant 0 : i32
    %dma_wait3A_51 = tpu.memref_slice %arg6[%dma_wait3A_49, %dma_wait3A_50] : memref<512x128xf32, #tpu.memory_space<vmem>> -> memref<128x128xf32, #tpu.memory_space<vmem>>
    %dma_wait3A_52 = arith.constant 256 : i32
    %dma_wait3A_53 = tpu.memref_slice %arg5[%dma_wait3A_52] : memref<512xi32, #tpu.memory_space<vmem>> -> memref<128xi32, #tpu.memory_space<vmem>>
    %dma_wait3A_54 = arith.constant 0 : i32
    %dma_wait3A_55 = arith.constant 0 : i32
    %dma_wait3A_56 = tpu.memref_slice %arg2[%dma_wait3A_54, %dma_wait3A_55] : memref<8192x128xf32, #tpu.memory_space<hbm>> -> memref<8192x128xf32, #tpu.memory_space<hbm>>
    tpu.wait_indirect_dma semaphore(%arg7 : memref<!tpu.dma_semaphore, #tpu.memory_space<semaphore_mem>>) src(%dma_wait3A_56 : memref<8192x128xf32, #tpu.memory_space<hbm>>) dst(%dma_wait3A_51 : memref<128x128xf32, #tpu.memory_space<vmem>>)
    %dma_wait3A_57 = arith.constant 384 : i32
    %dma_wait3A_58 = arith.constant 0 : i32
    %dma_wait3A_59 = tpu.memref_slice %arg6[%dma_wait3A_57, %dma_wait3A_58] : memref<512x128xf32, #tpu.memory_space<vmem>> -> memref<128x128xf32, #tpu.memory_space<vmem>>
    %dma_wait3A_60 = arith.constant 384 : i32
    %dma_wait3A_61 = tpu.memref_slice %arg5[%dma_wait3A_60] : memref<512xi32, #tpu.memory_space<vmem>> -> memref<128xi32, #tpu.memory_space<vmem>>
    %dma_wait3A_62 = arith.constant 0 : i32
    %dma_wait3A_63 = arith.constant 0 : i32
    %dma_wait3A_64 = tpu.memref_slice %arg2[%dma_wait3A_62, %dma_wait3A_63] : memref<8192x128xf32, #tpu.memory_space<hbm>> -> memref<8192x128xf32, #tpu.memory_space<hbm>>
    tpu.wait_indirect_dma semaphore(%arg7 : memref<!tpu.dma_semaphore, #tpu.memory_space<semaphore_mem>>) src(%dma_wait3A_64 : memref<8192x128xf32, #tpu.memory_space<hbm>>) dst(%dma_wait3A_59 : memref<128x128xf32, #tpu.memory_space<vmem>>)
    "tpu.region"() ({
      %run_scoped3A = tpu.sem_alloc : memref<!tpu.dma_semaphore, #tpu.memory_space<semaphore_mem>>
      %dma_start3A_65 = arith.constant 0 : i32
      %dma_start3A_66 = tpu.memref_slice %arg4[%mul3A_2, %dma_start3A_65] : memref<16384x128xf32, #tpu.memory_space<hbm>> -> memref<512x128xf32, #tpu.memory_space<hbm>>
      %dma_start3A_67 = arith.constant 0 : i32
      %dma_start3A_68 = tpu.memref_slice %arg4[%mul3A_2, %dma_start3A_67] : memref<16384x128xf32, #tpu.memory_space<hbm>> -> memref<512x128xf32, #tpu.memory_space<hbm>>
      tpu.enqueue_dma source(%arg6 : memref<512x128xf32, #tpu.memory_space<vmem>>) target(%dma_start3A_68 : memref<512x128xf32, #tpu.memory_space<hbm>>) target_semaphore(%run_scoped3A : memref<!tpu.dma_semaphore, #tpu.memory_space<semaphore_mem>>)
      %dma_wait3A_69 = arith.constant 0 : i32
      %dma_wait3A_70 = tpu.memref_slice %arg4[%mul3A_2, %dma_wait3A_69] : memref<16384x128xf32, #tpu.memory_space<hbm>> -> memref<512x128xf32, #tpu.memory_space<hbm>>
      %dma_wait3A_71 = arith.constant 0 : i32
      %dma_wait3A_72 = tpu.memref_slice %arg4[%mul3A_2, %dma_wait3A_71] : memref<16384x128xf32, #tpu.memory_space<hbm>> -> memref<512x128xf32, #tpu.memory_space<hbm>>
      tpu.wait_dma2 semaphore(%run_scoped3A : memref<!tpu.dma_semaphore, #tpu.memory_space<semaphore_mem>>) src(%arg6 : memref<512x128xf32, #tpu.memory_space<vmem>>) dst(%dma_wait3A_72 : memref<512x128xf32, #tpu.memory_space<hbm>>)
      tpu.yield
    }) : () -> ()
    return
  }
}

module attributes {stable_mosaic.version = 14 : i64} {
  func.func @_argmin_body(%arg0: i32, %arg1: memref<1024x32xbf16, #tpu.memory_space<vmem>>, %arg2: memref<1024x1xf32, #tpu.memory_space<vmem>>, %arg3: memref<1x8192xf32, #tpu.memory_space<vmem>>, %arg4: memref<32x8192xbf16, #tpu.memory_space<vmem>>, %arg5: memref<1024xi32, #tpu.memory_space<vmem>>, %arg6: memref<1x1xf32, #tpu.memory_space<vmem>>, %arg7: memref<1x1xf32, #tpu.memory_space<vmem>>, %arg8: memref<128x64xf32, #tpu.memory_space<vmem>>, %arg9: memref<1x1xf32, #tpu.memory_space<vmem>>) attributes {dimension_semantics = [#tpu.dimension_semantics<arbitrary>], iteration_bounds = array<i64: 16>, scalar_prefetch = 0 : i64, scratch_operands = 2 : i64, tpu.core_type = #tpu.core_type<tc>, window_params = [{transform_indices = @transform_0, window_bounds = array<i64: 1024, 32>}, {transform_indices = @transform_1, window_bounds = array<i64: 1024, 1>}, {pipeline_mode = #tpu.pipeline_mode<synchronous>, transform_indices = @transform_2, window_bounds = array<i64: 1, 8192>}, {pipeline_mode = #tpu.pipeline_mode<synchronous>, transform_indices = @transform_3, window_bounds = array<i64: 32, 8192>}, {transform_indices = @transform_4, window_bounds = array<i64: 1024>}, {pipeline_mode = #tpu.pipeline_mode<synchronous>, transform_indices = @transform_5, window_bounds = array<i64: 1, 1>}, {pipeline_mode = #tpu.pipeline_mode<synchronous>, transform_indices = @transform_6, window_bounds = array<i64: 1, 1>}]} {
    %eq3A = arith.constant 0 : i32
    %eq3A_0 = arith.cmpi eq, %arg0, %eq3A : i32
    %convert_element_type3A = arith.extui %eq3A_0 : i1 to i32
    %cond3A = arith.constant 0 : i32
    %cond3A_1 = arith.cmpi ne, %convert_element_type3A, %cond3A : i32
    scf.if %cond3A_1 {
      %broadcast_in_dim3A_105 = arith.constant 0.000000e+00 : f32
      %broadcast_in_dim3A_106 = vector.broadcast %broadcast_in_dim3A_105 : f32 to vector<128x64xf32>
      %swap3A_107 = arith.constant 0 : index
      %swap3A_108 = arith.constant 0 : index
      %swap3A_109 = vector.load %arg8[%swap3A_107, %swap3A_108] : memref<128x64xf32, #tpu.memory_space<vmem>>, vector<128x64xf32>
      tpu.vector_store %arg8[%swap3A_107, %swap3A_108], %broadcast_in_dim3A_106 {strides = array<i32>} : memref<128x64xf32, #tpu.memory_space<vmem>>, vector<128x64xf32>,
      %broadcast_in_dim3A_110 = arith.constant 0.000000e+00 : f32
      %broadcast_in_dim3A_111 = vector.broadcast %broadcast_in_dim3A_110 : f32 to vector<1x1xf32>
      %swap3A_112 = arith.constant 0 : index
      %swap3A_113 = arith.constant 0 : index
      %swap3A_114 = vector.load %arg9[%swap3A_112, %swap3A_113] : memref<1x1xf32, #tpu.memory_space<vmem>>, vector<1x1xf32>
      tpu.vector_store %arg9[%swap3A_112, %swap3A_113], %broadcast_in_dim3A_111 {strides = array<i32>} : memref<1x1xf32, #tpu.memory_space<vmem>>, vector<1x1xf32>,
    } else {
    }
    %get3A = arith.constant 0 : index
    %get3A_2 = arith.constant 0 : index
    %get3A_3 = vector.load %arg1[%get3A, %get3A_2] : memref<1024x32xbf16, #tpu.memory_space<vmem>>, vector<1024x32xbf16>
    %get3A_4 = arith.constant 0 : index
    %get3A_5 = arith.constant 0 : index
    %get3A_6 = vector.load %arg2[%get3A_4, %get3A_5] : memref<1024x1xf32, #tpu.memory_space<vmem>>, vector<1024x1xf32>
    %get3A_7 = arith.constant 0 : index
    %get3A_8 = arith.constant 0 : index
    %get3A_9 = vector.load %arg4[%get3A_7, %get3A_8] : memref<32x8192xbf16, #tpu.memory_space<vmem>>, vector<32x4096xbf16>
    %get3A_10 = arith.constant 0 : index
    %get3A_11 = arith.constant 0 : index
    %get3A_12 = vector.load %arg3[%get3A_10, %get3A_11] : memref<1x8192xf32, #tpu.memory_space<vmem>>, vector<1x4096xf32>
    %dot_general3A = arith.constant dense<0.000000e+00> : vector<1024x4096xf32>
    %dot_general3A_13 = tpu.matmul %get3A_3, %get3A_9, %dot_general3A {dimension_numbers = #tpu.dot_dimension_numbers<[1], [0], [0], [1], [0, 0, 1, 1], [], []>, transpose_lhs_hint = false} : vector<1024x32xbf16>, vector<32x4096xbf16>, vector<1024x4096xf32> -> vector<1024x4096xf32>
    %add3A = vector.broadcast %get3A_6 : vector<1024x1xf32> to vector<1024x4096xf32>
    %add3A_14 = vector.broadcast %get3A_12 : vector<1x4096xf32> to vector<1024x4096xf32>
    %add3A_15 = arith.addf %add3A, %add3A_14 : vector<1024x4096xf32>
    %mul3A = arith.constant 2.000000e+00 : f32
    %mul3A_16 = vector.broadcast %mul3A : f32 to vector<1024x4096xf32>
    %mul3A_17 = arith.mulf %mul3A_16, %dot_general3A_13 : vector<1024x4096xf32>
    %sub3A = arith.subf %add3A_15, %mul3A_17 : vector<1024x4096xf32>
    %reduce_min3A = arith.constant dense<0x7F800000> : vector<1024xf32>
    %reduce_min3A_18 = vector.multi_reduction <minimumf>, %sub3A, %reduce_min3A [1] : vector<1024x4096xf32> to vector<1024xf32>
    %broadcast_in_dim3A = vector.shape_cast %reduce_min3A_18 : vector<1024xf32> to vector<1024x1xf32>
    %iota3A = tpu.iota {dimensions = array<i32: 1>} : vector<1024x4096xi32>
    %eq3A_19 = vector.broadcast %broadcast_in_dim3A : vector<1024x1xf32> to vector<1024x4096xf32>
    %eq3A_20 = arith.cmpf oeq, %sub3A, %eq3A_19 : vector<1024x4096xf32>
    %jit3A = arith.constant 8192 : i32
    %broadcast_in_dim3A_21 = vector.broadcast %jit3A : i32 to vector<1024x4096xi32>
    %select_n3A = arith.select %eq3A_20, %iota3A, %broadcast_in_dim3A_21 : vector<1024x4096xi1>, vector<1024x4096xi32>
    %reduce_min3A_22 = arith.constant dense<2147483647> : vector<1024xi32>
    %reduce_min3A_23 = vector.multi_reduction <minsi>, %select_n3A, %reduce_min3A_22 [1] : vector<1024x4096xi32> to vector<1024xi32>
    %broadcast_in_dim3A_24 = vector.shape_cast %reduce_min3A_23 : vector<1024xi32> to vector<1024x1xi32>
    %add3A_25 = arith.constant 0 : i32
    %add3A_26 = vector.broadcast %add3A_25 : i32 to vector<1024x1xi32>
    %add3A_27 = arith.addi %broadcast_in_dim3A_24, %add3A_26 : vector<1024x1xi32>
    %get3A_28 = arith.constant 0 : index
    %get3A_29 = arith.constant 4096 : index
    %get3A_30 = vector.load %arg4[%get3A_28, %get3A_29] : memref<32x8192xbf16, #tpu.memory_space<vmem>>, vector<32x4096xbf16>
    %get3A_31 = arith.constant 0 : index
    %get3A_32 = arith.constant 4096 : index
    %get3A_33 = vector.load %arg3[%get3A_31, %get3A_32] : memref<1x8192xf32, #tpu.memory_space<vmem>>, vector<1x4096xf32>
    %dot_general3A_34 = arith.constant dense<0.000000e+00> : vector<1024x4096xf32>
    %dot_general3A_35 = tpu.matmul %get3A_3, %get3A_30, %dot_general3A_34 {dimension_numbers = #tpu.dot_dimension_numbers<[1], [0], [0], [1], [0, 0, 1, 1], [], []>, transpose_lhs_hint = false} : vector<1024x32xbf16>, vector<32x4096xbf16>, vector<1024x4096xf32> -> vector<1024x4096xf32>
    %add3A_36 = vector.broadcast %get3A_6 : vector<1024x1xf32> to vector<1024x4096xf32>
    %add3A_37 = vector.broadcast %get3A_33 : vector<1x4096xf32> to vector<1024x4096xf32>
    %add3A_38 = arith.addf %add3A_36, %add3A_37 : vector<1024x4096xf32>
    %mul3A_39 = arith.constant 2.000000e+00 : f32
    %mul3A_40 = vector.broadcast %mul3A_39 : f32 to vector<1024x4096xf32>
    %mul3A_41 = arith.mulf %mul3A_40, %dot_general3A_35 : vector<1024x4096xf32>
    %sub3A_42 = arith.subf %add3A_38, %mul3A_41 : vector<1024x4096xf32>
    %reduce_min3A_43 = arith.constant dense<0x7F800000> : vector<1024xf32>
    %reduce_min3A_44 = vector.multi_reduction <minimumf>, %sub3A_42, %reduce_min3A_43 [1] : vector<1024x4096xf32> to vector<1024xf32>
    %broadcast_in_dim3A_45 = vector.shape_cast %reduce_min3A_44 : vector<1024xf32> to vector<1024x1xf32>
    %iota3A_46 = tpu.iota {dimensions = array<i32: 1>} : vector<1024x4096xi32>
    %eq3A_47 = vector.broadcast %broadcast_in_dim3A_45 : vector<1024x1xf32> to vector<1024x4096xf32>
    %eq3A_48 = arith.cmpf oeq, %sub3A_42, %eq3A_47 : vector<1024x4096xf32>
    %jit3A_49 = arith.constant 8192 : i32
    %broadcast_in_dim3A_50 = vector.broadcast %jit3A_49 : i32 to vector<1024x4096xi32>
    %select_n3A_51 = arith.select %eq3A_48, %iota3A_46, %broadcast_in_dim3A_50 : vector<1024x4096xi1>, vector<1024x4096xi32>
    %reduce_min3A_52 = arith.constant dense<2147483647> : vector<1024xi32>
    %reduce_min3A_53 = vector.multi_reduction <minsi>, %select_n3A_51, %reduce_min3A_52 [1] : vector<1024x4096xi32> to vector<1024xi32>
    %broadcast_in_dim3A_54 = vector.shape_cast %reduce_min3A_53 : vector<1024xi32> to vector<1024x1xi32>
    %add3A_55 = arith.constant 4096 : i32
    %add3A_56 = vector.broadcast %add3A_55 : i32 to vector<1024x1xi32>
    %add3A_57 = arith.addi %broadcast_in_dim3A_54, %add3A_56 : vector<1024x1xi32>
    %convert_element_type3A_58 = arith.truncf %broadcast_in_dim3A : vector<1024x1xf32> to vector<1024x1xbf16>
    %convert_element_type3A_59 = arith.extf %convert_element_type3A_58 : vector<1024x1xbf16> to vector<1024x1xf32>
    %lt3A = arith.cmpf olt, %broadcast_in_dim3A_45, %convert_element_type3A_59 : vector<1024x1xf32>
    %select_n3A_60 = arith.select %lt3A, %add3A_57, %add3A_27 : vector<1024x1xi1>, vector<1024x1xi32>
    %select_n3A_61 = arith.select %lt3A, %broadcast_in_dim3A_45, %broadcast_in_dim3A : vector<1024x1xi1>, vector<1024x1xf32>
    %squeeze3A = vector.shape_cast %select_n3A_60 : vector<1024x1xi32> to vector<1024xi32>
    %swap3A = arith.constant 0 : index
    %swap3A_62 = vector.load %arg5[%swap3A] : memref<1024xi32, #tpu.memory_space<vmem>>, vector<1024xi32>
    tpu.vector_store %arg5[%swap3A], %squeeze3A {strides = array<i32>} : memref<1024xi32, #tpu.memory_space<vmem>>, vector<1024xi32>,
    %get3A_63 = arith.constant 0 : index
    %get3A_64 = arith.constant 0 : index
    %get3A_65 = vector.load %arg9[%get3A_63, %get3A_64] : memref<1x1xf32, #tpu.memory_space<vmem>>, vector<1x1xf32>
    %reduce_sum3A = vector.shape_cast %select_n3A_61 : vector<1024x1xf32> to vector<1x1024x1xf32>
    %reduce_sum3A_66 = arith.constant dense<0.000000e+00> : vector<1xf32>
    %reduce_sum3A_67 = vector.multi_reduction <add>, %reduce_sum3A, %reduce_sum3A_66 [1, 2] : vector<1x1024x1xf32> to vector<1xf32>
    %reduce_sum3A_68 = vector.shape_cast %reduce_sum3A_67 : vector<1xf32> to vector<1x1x1xf32>
    %reduce_sum3A_69 = vector.extract %reduce_sum3A_68[0, 0, 0] : f32 from vector<1x1x1xf32>
    %broadcast_in_dim3A_70 = vector.broadcast %reduce_sum3A_69 : f32 to vector<1x1xf32>
    %add3A_71 = arith.addf %get3A_65, %broadcast_in_dim3A_70 : vector<1x1xf32>
    %swap3A_72 = arith.constant 0 : index
    %swap3A_73 = arith.constant 0 : index
    %swap3A_74 = vector.load %arg9[%swap3A_72, %swap3A_73] : memref<1x1xf32, #tpu.memory_space<vmem>>, vector<1x1xf32>
    tpu.vector_store %arg9[%swap3A_72, %swap3A_73], %add3A_71 {strides = array<i32>} : memref<1x1xf32, #tpu.memory_space<vmem>>, vector<1x1xf32>,
    %shift_right_arithmetic3A = arith.constant 6 : i32
    %shift_right_arithmetic3A_75 = vector.broadcast %shift_right_arithmetic3A : i32 to vector<1024x1xi32>
    %shift_right_arithmetic3A_76 = arith.shrsi %select_n3A_60, %shift_right_arithmetic3A_75 : vector<1024x1xi32>
    %and3A = arith.constant 63 : i32
    %and3A_77 = vector.broadcast %and3A : i32 to vector<1024x1xi32>
    %and3A_78 = arith.andi %select_n3A_60, %and3A_77 : vector<1024x1xi32>
    %iota3A_79 = tpu.iota {dimensions = array<i32: 1>} : vector<1024x128xi32>
    %eq3A_80 = vector.broadcast %shift_right_arithmetic3A_76 : vector<1024x1xi32> to vector<1024x128xi32>
    %eq3A_81 = arith.cmpi eq, %eq3A_80, %iota3A_79 : vector<1024x128xi32>
    %convert_element_type3A_82 = arith.extui %eq3A_81 : vector<1024x128xi1> to vector<1024x128xi32>
    %convert_element_type3A_83 = arith.sitofp %convert_element_type3A_82 : vector<1024x128xi32> to vector<1024x128xf32>
    %convert_element_type3A_84 = arith.truncf %convert_element_type3A_83 : vector<1024x128xf32> to vector<1024x128xbf16>
    %iota3A_85 = tpu.iota {dimensions = array<i32: 1>} : vector<1024x64xi32>
    %eq3A_86 = vector.broadcast %and3A_78 : vector<1024x1xi32> to vector<1024x64xi32>
    %eq3A_87 = arith.cmpi eq, %eq3A_86, %iota3A_85 : vector<1024x64xi32>
    %convert_element_type3A_88 = arith.extui %eq3A_87 : vector<1024x64xi1> to vector<1024x64xi32>
    %convert_element_type3A_89 = arith.sitofp %convert_element_type3A_88 : vector<1024x64xi32> to vector<1024x64xf32>
    %convert_element_type3A_90 = arith.truncf %convert_element_type3A_89 : vector<1024x64xf32> to vector<1024x64xbf16>
    %get3A_91 = arith.constant 0 : index
    %get3A_92 = arith.constant 0 : index
    %get3A_93 = vector.load %arg8[%get3A_91, %get3A_92] : memref<128x64xf32, #tpu.memory_space<vmem>>, vector<128x64xf32>
    %dot_general3A_94 = arith.constant dense<0.000000e+00> : vector<128x64xf32>
    %dot_general3A_95 = tpu.matmul %convert_element_type3A_84, %convert_element_type3A_90, %dot_general3A_94 {dimension_numbers = #tpu.dot_dimension_numbers<[0], [0], [1], [1], [0, 1, 1, 1], [], []>, transpose_lhs_hint = false} : vector<1024x128xbf16>, vector<1024x64xbf16>, vector<128x64xf32> -> vector<128x64xf32>
    %add3A_96 = arith.addf %get3A_93, %dot_general3A_95 : vector<128x64xf32>
    %swap3A_97 = arith.constant 0 : index
    %swap3A_98 = arith.constant 0 : index
    %swap3A_99 = vector.load %arg8[%swap3A_97, %swap3A_98] : memref<128x64xf32, #tpu.memory_space<vmem>>, vector<128x64xf32>
    tpu.vector_store %arg8[%swap3A_97, %swap3A_98], %add3A_96 {strides = array<i32>} : memref<128x64xf32, #tpu.memory_space<vmem>>, vector<128x64xf32>,
    %eq3A_100 = arith.constant 15 : i32
    %eq3A_101 = arith.cmpi eq, %arg0, %eq3A_100 : i32
    %convert_element_type3A_102 = arith.extui %eq3A_101 : i1 to i32
    %cond3A_103 = arith.constant 0 : i32
    %cond3A_104 = arith.cmpi ne, %convert_element_type3A_102, %cond3A_103 : i32
    scf.if %cond3A_104 {
      %get3A_105 = arith.constant 0 : index
      %get3A_106 = arith.constant 0 : index
      %get3A_107 = vector.load %arg8[%get3A_105, %get3A_106] : memref<128x64xf32, #tpu.memory_space<vmem>>, vector<128x64xf32>
      %mul3A_108 = arith.constant 6.10351563E-5 : f32
      %mul3A_109 = vector.broadcast %mul3A_108 : f32 to vector<128x64xf32>
      %mul3A_110 = arith.mulf %get3A_107, %mul3A_109 : vector<128x64xf32>
      %add3A_111 = arith.constant 1.000000e-10 : f32
      %add3A_112 = vector.broadcast %add3A_111 : f32 to vector<128x64xf32>
      %add3A_113 = arith.addf %mul3A_110, %add3A_112 : vector<128x64xf32>
      %log3A = math.log %add3A_113 : vector<128x64xf32>
      %mul3A_114 = arith.mulf %mul3A_110, %log3A : vector<128x64xf32>
      %reduce_sum3A_115 = vector.shape_cast %mul3A_114 : vector<128x64xf32> to vector<1x128x64xf32>
      %reduce_sum3A_116 = arith.constant dense<0.000000e+00> : vector<1xf32>
      %reduce_sum3A_117 = vector.multi_reduction <add>, %reduce_sum3A_115, %reduce_sum3A_116 [1, 2] : vector<1x128x64xf32> to vector<1xf32>
      %reduce_sum3A_118 = vector.shape_cast %reduce_sum3A_117 : vector<1xf32> to vector<1x1x1xf32>
      %reduce_sum3A_119 = vector.extract %reduce_sum3A_118[0, 0, 0] : f32 from vector<1x1x1xf32>
      %broadcast_in_dim3A_120 = vector.broadcast %reduce_sum3A_119 : f32 to vector<1x1xf32>
      %neg3A = arith.constant 0.000000e+00 : f32
      %neg3A_121 = vector.broadcast %neg3A : f32 to vector<1x1xf32>
      %neg3A_122 = arith.subf %neg3A_121, %broadcast_in_dim3A_120 : vector<1x1xf32>
      %exp3A = math.exp %neg3A_122 : vector<1x1xf32>
      %swap3A_123 = arith.constant 0 : index
      %swap3A_124 = arith.constant 0 : index
      %swap3A_125 = vector.load %arg7[%swap3A_123, %swap3A_124] : memref<1x1xf32, #tpu.memory_space<vmem>>, vector<1x1xf32>
      tpu.vector_store %arg7[%swap3A_123, %swap3A_124], %exp3A {strides = array<i32>} : memref<1x1xf32, #tpu.memory_space<vmem>>, vector<1x1xf32>,
      %get3A_126 = arith.constant 0 : index
      %get3A_127 = arith.constant 0 : index
      %get3A_128 = vector.load %arg9[%get3A_126, %get3A_127] : memref<1x1xf32, #tpu.memory_space<vmem>>, vector<1x1xf32>
      %mul3A_129 = arith.constant 1.90734863E-6 : f32
      %mul3A_130 = vector.broadcast %mul3A_129 : f32 to vector<1x1xf32>
      %mul3A_131 = arith.mulf %get3A_128, %mul3A_130 : vector<1x1xf32>
      %mul3A_132 = arith.constant 2.500000e-01 : f32
      %mul3A_133 = vector.broadcast %mul3A_132 : f32 to vector<1x1xf32>
      %mul3A_134 = arith.mulf %mul3A_133, %mul3A_131 : vector<1x1xf32>
      %swap3A_135 = arith.constant 0 : index
      %swap3A_136 = arith.constant 0 : index
      %swap3A_137 = vector.load %arg6[%swap3A_135, %swap3A_136] : memref<1x1xf32, #tpu.memory_space<vmem>>, vector<1x1xf32>
      tpu.vector_store %arg6[%swap3A_135, %swap3A_136], %mul3A_134 {strides = array<i32>} : memref<1x1xf32, #tpu.memory_space<vmem>>, vector<1x1xf32>,
    } else {
    }
    return
  }
  func.func @transform_0(%arg0: i32) -> (i32, i32) {
    %c0_i32 = arith.constant 0 : i32
    %c0_i32_0 = arith.constant 0 : i32
    return %arg0, %c0_i32 : i32, i32
  }
  func.func @transform_1(%arg0: i32) -> (i32, i32) {
    %c0_i32 = arith.constant 0 : i32
    %c0_i32_0 = arith.constant 0 : i32
    return %arg0, %c0_i32 : i32, i32
  }
  func.func @transform_2(%arg0: i32) -> (i32, i32) {
    %c0_i32 = arith.constant 0 : i32
    %c0_i32_0 = arith.constant 0 : i32
    %c0_i32_1 = arith.constant 0 : i32
    return %c0_i32, %c0_i32_0 : i32, i32
  }
  func.func @transform_3(%arg0: i32) -> (i32, i32) {
    %c0_i32 = arith.constant 0 : i32
    %c0_i32_0 = arith.constant 0 : i32
    %c0_i32_1 = arith.constant 0 : i32
    return %c0_i32, %c0_i32_0 : i32, i32
  }
  func.func @transform_4(%arg0: i32) -> i32 {
    %c0_i32 = arith.constant 0 : i32
    return %arg0 : i32
  }
  func.func @transform_5(%arg0: i32) -> (i32, i32) {
    %c0_i32 = arith.constant 0 : i32
    %c0_i32_0 = arith.constant 0 : i32
    %c0_i32_1 = arith.constant 0 : i32
    return %c0_i32, %c0_i32_0 : i32, i32
  }
  func.func @transform_6(%arg0: i32) -> (i32, i32) {
    %c0_i32 = arith.constant 0 : i32
    %c0_i32_0 = arith.constant 0 : i32
    %c0_i32_1 = arith.constant 0 : i32
    return %c0_i32, %c0_i32_0 : i32, i32
  }
}

</mosaic_0001>

<sc_bundles>
// kernel: kernel.4.cloned.1.call-start
scs
__scs_entry_jumppad:
0x0: {  	(pc) =	sbr.rel $0x88, $3  }
0x1: {  	(tag) =	ssettag $0x0;
	lr =	simm.s32 $0x1  }
0x2: {  	[smem:$0x3F9F] =	sst lr;
	_ =	strace $0xD0000000  }
0x3: {  	_ = 	snop  }
0x4: {  	_ = 	snop  }
0x5: {  	_ = 	snop  }
0x6: {  	_ = 	snop  }
0x7: {  	_ = 	snop  }
__scs_overlays_trampoline_lowered:
0x8: {  	[smem:$0x3FAE] =	sst s0  }
0x9: {  	[smem:$0x3FAF] =	sst s1  }
0xa: {  	[smem:$0x3FB0] =	sst s2  }
0xb: {  	[smem:$0x3FB1] =	sst s3  }
0xc: {  	[smem:$0x3FB2] =	sst s4  }
0xd: {  	[smem:$0x3FB3] =	sst s5  }
0xe: {  	[smem:$0x3FB4] =	sst s6  }
0xf: {  	[smem:$0x3FB5] =	sst s7  }
0x10: {  	[smem:$0x3FB6] =	sst s8  }
0x11: {  	[smem:$0x3FB7] =	sst s9;
	s0 =	simm.s32 @!p0 $0x0  }
0x12: {  	s1 =	sld [smem:$0x3F9D];
	s0 =	simm.s32 @p0 $0x1  }
0x13: {  	[smem:$0x3FB8] =	sst s0;
	s0 =	simm.s32 @!p1 $0x0  }
0x14: {  	s2 =	sld [smem:$0x3F9C];
	s0 =	simm.s32 @p1 $0x1  }
0x15: {  	[smem:$0x3FB9] =	sst s0;
	s0 =	simm.s32 @!p2 $0x0  }
0x16: {  	s3 =	sld [smem:$0x3FDB];
	s0 =	simm.s32 @p2 $0x1  }
0x17: {  	s4 =	simm.s32 $0x1BF5;
	[smem:$0x3FBB] =	sst s0  }
0x18: {  	s0 =	sld [smem:$0x3F9E];
	_ =	swait.ge [sflag:s4], $0x0  }
0x19: {  	s7 =	sld [smem:$0x3F9F]  }
0x1a: {  	s8 =	sadd.s32 $0xFFFFE003, lr  }
0x1b: {  	s9 =	sadd.s32 $0xFFFFFEF7, lr;
	s5 =	simm.s32 $0xFFFFFFFF;
	p2 =	slt.u32 s8, $0xFFFFF086  }
0x1c: {  	p1 =	slt.u32 s9, $0xF7A;
	s5 =	simm.s32 @!p2 $0x0  }
0x1d: {  	s5 =	simm.s32 @p1 $0x1;
	p0 =	seq.s32 s7, s2  }
0x1e: {  	s7 =	smul.u32 @!p0 $0xF7A, s2;
	p2 =	seq.s32 @!p0 s5, $0x0  }
0x1f: {  	s9 =	smul.u32 $0xF7A, s1;
	s8 =	simm.s32 @!p0 $0x1BF5;
	p2 =	por !p2, p0  }
0x20: {  	[sflag:s8] =	ssyncset.s32 @!p0 $0xFFFFF086;
	s6 =	sadd.s32 @!p0 s3, s7;
	s7 =	simm.s32 @!p0 $0x108  }
0x21: {  	s3 =	sadd.s32 s3, s9;
	s6 =	sadd.s32 @!p0 $0x88, s6;
	s7 =	simm.s32 @p2 $0x1082  }
0x22: {  	[simem:s7], [sflag:s8] =	dma.local @!p0 [hbm:s6], $0xF7A  }
0x23: {  	s9 =	sor.u32 $0xD0000000, s2;
	s6 =	simm.s32 $0x108;
	_ =	swait.ge @!p0 [sflag:s8], $0x0  }
0x24: {  	s3 =	sadd.s32 $0x88, s3;
	s6 =	simm.s32 @!p1 $0x1082;
	[sflag:s4] =	ssyncset.s32 $0xFFFFF086  }
0x25: {  	[simem:s6], [sflag:s4] =	dma.local [hbm:s3], $0xF7A  }
0x26: {  	[smem:$0x3F9F] =	sst s1;
	(tag) =	ssettag s2;
	_ =	strace s9  }
0x27: {  	s1 =	sld [smem:$0x3FAF]  }
0x28: {  	s2 =	sld [smem:$0x3FB0]  }
0x29: {  	s4 =	sld [smem:$0x3FB2]  }
0x2a: {  	p0 =	seq.s32 s5, $0x0;
	s5 =	sld [smem:$0x3FB3]  }
0x2b: {  	s6 =	sld [smem:$0x3FB4]  }
0x2c: {  	s7 =	sld [smem:$0x3FB5]  }
0x2d: {  	s3 =	simm.s32 $0x108;
	s8 =	sld [smem:$0x3FB6]  }
0x2e: {  	s3 =	simm.s32 @!p0 $0x1082;
	s9 =	sld [smem:$0x3FB7]  }
0x2f: {  	lr =	sadd.s32 s0, s3;
	s0 =	sld [smem:$0x3FAE]  }
0x30: {  	s3 =	sld [smem:$0x3FB1]  }
0x31: {  	[smem:$0x3FBA] =	sst s10  }
0x32: {  	s10 =	sld [smem:$0x3FB8];
	_ =	sdelay $0x3  }
0x33: {  	p0 =	seq.s32 s10, $0x1;
	s10 =	sld [smem:$0x3FBA];
	_ =	sdelay $0x3  }
0x34: {  	[smem:$0x3FBA] =	sst s10  }
0x35: {  	s10 =	sld [smem:$0x3FB9];
	_ =	sdelay $0x3  }
0x36: {  	p1 =	seq.s32 s10, $0x1;
	s10 =	sld [smem:$0x3FBA];
	_ =	sdelay $0x3  }
0x37: {  	[smem:$0x3FBA] =	sst s10  }
0x38: {  	s10 =	sld [smem:$0x3FBB]  }
0x39: {  	_ = 	snop;
	(pc) =	sbr.ind lr, $3  }
0x3a: {  	_ = 	snop  }
0x3b: {  	_ = 	snop  }
0x3c: {  	p2 =	seq.s32 s10, $0x1;
	s10 =	sld [smem:$0x3FBA]  }
0x3d: {  	_ =	shalt  }
0x3e: {  	_ =	shalt  }
0x3f: {  	_ =	shalt  }
0x40: {  	_ =	shalt  }
0x41: {  	_ =	shalt  }
0x42: {  	_ =	shalt  }
0x43: {  	_ =	shalt  }
0x44: {  	_ =	shalt  }
0x45: {  	_ =	shalt  }
0x46: {  	_ =	shalt  }
0x47: {  	_ =	shalt  }
0x48: {  	_ =	shalt  }
0x49: {  	_ =	shalt  }
0x4a: {  	_ =	shalt  }
0x4b: {  	_ =	shalt  }
0x4c: {  	_ =	shalt  }
0x4d: {  	_ =	shalt  }
0x4e: {  	_ =	shalt  }
0x4f: {  	_ =	shalt  }
0x50: {  	_ =	shalt  }
0x51: {  	_ =	shalt  }
0x52: {  	_ =	shalt  }
0x53: {  	_ =	shalt  }
0x54: {  	_ =	shalt  }
0x55: {  	_ =	shalt  }
0x56: {  	_ =	shalt  }
0x57: {  	_ =	shalt  }
0x58: {  	_ =	shalt  }
0x59: {  	_ =	shalt  }
0x5a: {  	_ =	shalt  }
0x5b: {  	_ =	shalt  }
0x5c: {  	_ =	shalt  }
0x5d: {  	_ =	shalt  }
0x5e: {  	_ =	shalt  }
0x5f: {  	_ =	shalt  }
0x60: {  	_ =	shalt  }
0x61: {  	_ =	shalt  }
0x62: {  	_ =	shalt  }
0x63: {  	_ =	shalt  }
0x64: {  	_ =	shalt  }
0x65: {  	_ =	shalt  }
0x66: {  	_ =	shalt  }
0x67: {  	_ =	shalt  }
0x68: {  	_ =	shalt  }
0x69: {  	_ =	shalt  }
0x6a: {  	_ =	shalt  }
0x6b: {  	_ =	shalt  }
0x6c: {  	_ =	shalt  }
0x6d: {  	_ =	shalt  }
0x6e: {  	_ =	shalt  }
0x6f: {  	_ =	shalt  }
0x70: {  	_ =	shalt  }
0x71: {  	_ =	shalt  }
0x72: {  	_ =	shalt  }
0x73: {  	_ =	shalt  }
0x74: {  	_ =	shalt  }
0x75: {  	_ =	shalt  }
0x76: {  	_ =	shalt  }
0x77: {  	_ =	shalt  }
0x78: {  	_ =	shalt  }
0x79: {  	_ =	shalt  }
0x7a: {  	_ =	shalt  }
0x7b: {  	_ =	shalt  }
0x7c: {  	_ =	shalt  }
0x7d: {  	_ =	shalt  }
0x7e: {  	_ =	shalt  }
0x7f: {  	_ =	shalt  }
0x80: {  	_ =	shalt  }
0x81: {  	_ =	shalt  }
0x82: {  	_ =	shalt  }
0x83: {  	_ =	shalt  }
0x84: {  	_ =	shalt  }
0x85: {  	_ =	shalt  }
0x86: {  	_ =	shalt  }
0x87: {  	_ =	shalt  }
.Lfunc_end0:
.L_simem_size_0:
called_computation_lowered:
.L_overlay_start_0:
0x88: {  	s2 =	sld [smem:$0x3FD9]  }
0x89: {  	s3 =	sld [smem:$0x3FFE];
	_ =	sdelay $0x1  }
0x8a: {  	s1 =	srdreg.scid  }
0x8b: {  	s0 =	sand.u32 $0x1, s1  }
0x8c: {  	s14 =	sshll.u32 s0, $0xA;
	s2 =	sadd.s32 s3, s2  }
0x8d: {  	s2 =	sadd.s32 s2, s14  }
0x8e: {  	[smem:$0x3FC6] =	sst s2  }
0x8f: {  	_ = 	snop  }
0x90: {  	s2 =	sld [smem:$0x3FD0];
	_ =	sdelay $0x2  }
0x91: {  	s15 =	simm.s32 $0xA;
	s4 =	simm.s32 $0x10  }
0x92: {  	[smem:s4], [sflag:s15] =	dma.local [hbm:s2], $0x1  }
0x93: {  	_ =	swait.eq [sflag:s15], $0x1  }
0x94: {  	[sflag:s15] =	ssyncset.done $0x0  }
0x95: {  	[sflag:s15] =	ssyncadd.s32 $0xFFFFFFFF  }
0x96: {  	s16 =	sld [smem:$0x10];
	(tm) =	ssettm $0x1  }
0x97: {  	s17 =	sld [smem:$0x3FFB];
	_ =	sdelay $0x3  }
0x98: {  	_ =	strace s17  }
0x99: {  	s3 =	sld [smem:$0x3FFC];
	_ =	sdelay $0x3  }
0x9a: {  	_ =	strace s3  }
0x9b: {  	s3 =	sld [smem:$0x3FFD];
	_ =	sdelay $0x3  }
0x9c: {  	_ =	strace s3  }
0x9d: {  	_ =	strace $0x8FFFFFFF  }
0x9e: {  	s18 =	sld [smem:$0x3FDB];
	_ =	sdelay $0x1  }
0x9f: {  	s19 =	simm.s32 $_scs_section_size  }
0xa0: {  	s5 =	simm.s32 $_size__tile_overlayer_lowered;
	s6 =	simm.s32 $_tile_overlayer_lowered  }
0xa1: {  	s22 =	simm.s32 $0x1BFF;
	s21 =	sshll.u32 s6, $0x1;
	s3 =	sadd.s32 s19, s18  }
0xa2: {  	s7 =	simm.s32 $0x0;
	s20 =	sshll.u32 s5, $0x1;
	s5 =	sadd.s32 s21, s3  }
0xa3: {  	[timem:s7], [sflag:s22] =	dma.local [hbm:s5], s20  }
0xa4: {  	_ =	swait.ge [sflag:s22], s20  }
0xa5: {  	s4 =	ssub.s32 $0x0, s20;
	[sflag:s22] =	ssyncset.done $0x0  }
0xa6: {  	[sflag:s22] =	ssyncadd.s32 s4;
	_ =	sdelay $0x1  }
0xa7: {  	s23 =	simm.s32 $0x1B8B  }
0xa8: {  	_ =	swait.ge [sflag:s23], $0x1  }
0xa9: {  	[sflag:s23] =	ssyncset.done $0x0  }
0xaa: {  	s25 =	simm.s32 $0x1B8E;
	s24 =	sld [smem:$0x3FFE];
	[sflag:s23] =	ssyncadd.s32 $0xFFFFFFFF  }
0xab: {  	s26 =	simm.s32 $execute0_lowered;
	[smem:$0x3FD2] =	sst s25  }
0xac: {  	s5 =	sshll.u32 s26, $0x1;
	_ =	strace $0x80000046;
	[dreg:$0x1] =	wrdreg $0xFFFFFFFF  }
0xad: {  	s28 =	simm.s32 $_size_execute0_lowered;
	s3 =	sadd.s32 s3, s5;
	[dreg:$0x0] =	wrdreg $0x0  }
0xae: {  	s5 =	sshll.u32 s28, $0x1;
	[dreg:$0x2] =	wrdreg s3  }
0xaf: {  	[dreg:$0x3] =	wrdreg s5  }
0xb0: {  	[dreg:$0x4] =	wrdreg $0xC0  }
0xb1: {  	_ =	task [dreg:s7], $0x5FFFF  }
0xb2: {  	[dreg:$0x1] =	wrdreg $0xFFFFFFFF  }
0xb3: {  	[dreg:$0x0] =	wrdreg $0x60  }
0xb4: {  	[dreg:$0x2] =	wrdreg s24  }
0xb5: {  	[dreg:$0x3] =	wrdreg s16  }
0xb6: {  	[dreg:$0x4] =	wrdreg $0x9  }
0xb7: {  	_ =	task.clear_ibuf [dreg:s7], $0x5FFFF;
	_ =	strace $0x90000046  }
0xb8: {  	s29 =	simm.s32 $0x9;
	_ =	strace $0x80000048  }
0xb9: {  	_ =	swait.ge [sflag:s29], $0x1  }
0xba: {  	[sflag:s29] =	ssyncadd.s32 $0xFFFFFFFF  }
0xbb: {  	_ =	strace $0x90000048  }
0xbc: {  	_ =	sfence  }
0xbd: {  	s30 =	sld [smem:$0x0];
	_ =	sdelay $0x2  }
0xbe: {  	s31 =	sshll.u32 s1, $0xD;
	s1 =	sshrl.u32 s1, $0x2  }
0xbf: {  	s3 =	sand.u32 $0x4000, s31;
	s1 =	sadd.s32 s1, s30  }
0xc0: {  	s0 =	sor.u32 s3, s0;
	s1 =	sshll.u32 s1, $0x11  }
0xc1: {  	s0 =	sor.u32 s1, s0  }
0xc2: {  	s0 =	sadd.s32 $0x8F2B, s0  }
0xc3: {  	[sflag:s0] =	ssyncadd.remote.s32 $0x1  }
0xc4: {  	_ =	sfence.sel $0xFFFF  }
0xc5: {  	[dreg:$0x0] =	wrdreg $0xFFFFFFFF;
	(pc) =	sbr.abs _section_cstart, $3  }
0xc6: {  	[dreg:$0x1] =	wrdreg $0xFFFFFFFF  }
0xc7: {  	_ =	task.clear_ibuf [dreg:s7], $0x2FFFF;
	_ =	strace $0x9FFFFFFF  }
0xc8: {  	(tm) =	ssettm $0x7FFFFFFF  }
0xc9: {  	_ =	shalt  }
tec
execute0_lowered:
.L_overlay_start_1:
0x0: {  	(tag) =	ssettag $0x1  }
0x1: {  	s1 =	srdreg.scid  }
0x2: {  	s14 =	rddreg [dreg:$0x0];
	s0 =	stileid.u32;
	s15 =	sand.u32 $0x1, s1  }
0x3: {  	s3 =	rddreg [dreg:$0x1];
	s4 =	sshll.u32 s0, $0xA;
	s5 =	sshll.u32 s15, $0x9  }
0x4: {  	s2 =	simm.s32 $0x0;
	s1 =	rddreg [dreg:$0x2];
	s16 =	sor.u32 s5, s4  }
0x5: {  	[smem:$0x7FF] =	sst s2;
	s4 =	sshrl.u32 s16, $0x3  }
0x6: {  	_ =	strace $0x80000047;
	s4 =	sadd.s32 s3, s4;
	s3 =	simm.s32 $0x2  }
0x7: {  	[tilespmem:s2], [sflag:$0x2] =	stream.linear.gather [hbm4b:s4+s2], $0x200, $0x38;
	[tilespmem:$0x10200] =	vst v63  }
0x8: {  	_ =	swait.ge [sflag:s3], $0x200  }
0x9: {  	s6 =	simm.s32 $0x80;
	[sflag:s3] =	ssyncset.done $0x0  }
0xa: {  	s7 =	simm.s32 $0x200;
	s5 =	sadd.s32 $0x400, s14;
	[sflag:s3] =	ssyncadd.s32 $0xFFFFFE00  }
0xb: {  	[tilespmem:s7], [sflag:$0x1] =	stream.indirect.gather [hbm4b:s5+s6], $0x80, s2, s6, $0xb8;
	[tilespmem:$0x10200] =	vst v63  }
0xc: {  	s8 =	simm.s32 $0x4200  }
0xd: {  	[tilespmem:s8], [sflag:$0x1] =	stream.indirect.gather [hbm4b:s5+s6], $0x80, s6, s6, $0xb8;
	[tilespmem:$0x10200] =	vst v63  }
0xe: {  	s9 =	simm.s32 $0x100;
	s10 =	simm.s32 $0x8200  }
0xf: {  	[tilespmem:s10], [sflag:$0x1] =	stream.indirect.gather [hbm4b:s5+s6], $0x80, s9, s6, $0xb8;
	[tilespmem:$0x10200] =	vst v63  }
0x10: {  	s11 =	simm.s32 $0x180;
	s12 =	simm.s32 $0xC200;
	s13 =	simm.s32 $0x1  }
0x11: {  	[tilespmem:s12], [sflag:$0x1] =	stream.indirect.gather [hbm4b:s5+s6], $0x80, s11, s6, $0xb8;
	[tilespmem:$0x10200] =	vst v63  }
0x12: {  	_ =	swait.ge [sflag:s13], $0x4000  }
0x13: {  	[sflag:s13] =	ssyncset.done $0x0  }
0x14: {  	[sflag:s13] =	ssyncadd.s32 $0xFFFFC000  }
0x15: {  	_ =	swait.ge [sflag:s13], $0x4000  }
0x16: {  	[sflag:s13] =	ssyncset.done $0x0  }
0x17: {  	s15 =	ssub.s32 $0x2, s15;
	[sflag:s13] =	ssyncadd.s32 $0xFFFFC000  }
0x18: {  	s17 =	sshrl.u32 s15, $0x1;
	_ =	swait.ge [sflag:s13], $0x4000  }
0x19: {  	s15 =	ssub.s32 s15, s17;
	[sflag:s13] =	ssyncset.done $0x0  }
0x1a: {  	s15 =	smax.u32 s15, $0x1;
	[sflag:s13] =	ssyncadd.s32 $0xFFFFC000  }
0x1b: {  	s16 =	sshll.u32 s16, $0x4;
	p0 =	sne.s32 s15, $0x1;
	_ =	swait.ge [sflag:s13], $0x4000  }
.Ltmp0:
0x1c: {  	s14 =	sadd.s32 s16, s14;
	[sflag:s13] =	ssyncset.done $0x0;
	(pc) =	sbr.rel @!p0 .LBB2_2-.Ltmp0, $4  }
0x1d: {  	s14 =	sadd.s32 $0x20400, s14;
	[sflag:s13] =	ssyncadd.s32 $0xFFFFC000  }
0x1e: {  	[hbm4b:s14+s2] =	stream.linear.scatter [tilespmem:s7], [sflag:$0x2], $0x10000, $0x38;
	[tilespmem:$0x10200] =	vst v63  }
0x1f: {  	_ =	swait.ge [sflag:s3], $0x10000  }
0x20: {  	s15 =	sadd.s32 $0xFFFFFFFF, s15;
	[sflag:s3] =	ssyncset.done $0x0  }
.LBB2_1:
0x21: {  	p0 =	sne.s32 s15, $0x1;
	s15 =	sadd.s32 $0xFFFFFFFF, s15;
	[sflag:s3] =	ssyncadd.s32 $0xFFFF0000  }
0x22: {  	[tilespmem:s2], [sflag:$0x2] =	stream.linear.gather [hbm4b:s4+s2], $0x200, $0x38;
	[tilespmem:$0x10200] =	vst v63  }
0x23: {  	_ =	swait.ge [sflag:s3], $0x200  }
0x24: {  	[sflag:s3] =	ssyncset.done $0x0  }
0x25: {  	[sflag:s3] =	ssyncadd.s32 $0xFFFFFE00  }
0x26: {  	[tilespmem:s7], [sflag:$0x1] =	stream.indirect.gather [hbm4b:s5+s6], $0x80, s2, s6, $0xb8;
	[tilespmem:$0x10200] =	vst v63  }
0x27: {  	_ = 	snop  }
0x28: {  	[tilespmem:s8], [sflag:$0x1] =	stream.indirect.gather [hbm4b:s5+s6], $0x80, s6, s6, $0xb8;
	[tilespmem:$0x10200] =	vst v63  }
0x29: {  	_ = 	snop  }
0x2a: {  	[tilespmem:s10], [sflag:$0x1] =	stream.indirect.gather [hbm4b:s5+s6], $0x80, s9, s6, $0xb8;
	[tilespmem:$0x10200] =	vst v63  }
0x2b: {  	_ = 	snop  }
0x2c: {  	[tilespmem:s12], [sflag:$0x1] =	stream.indirect.gather [hbm4b:s5+s6], $0x80, s11, s6, $0xb8;
	[tilespmem:$0x10200] =	vst v63  }
0x2d: {  	_ =	swait.ge [sflag:s13], $0x4000  }
0x2e: {  	[sflag:s13] =	ssyncset.done $0x0  }
0x2f: {  	[sflag:s13] =	ssyncadd.s32 $0xFFFFC000  }
0x30: {  	_ =	swait.ge [sflag:s13], $0x4000  }
0x31: {  	[sflag:s13] =	ssyncset.done $0x0  }
0x32: {  	[sflag:s13] =	ssyncadd.s32 $0xFFFFC000  }
0x33: {  	_ =	swait.ge [sflag:s13], $0x4000  }
0x34: {  	[sflag:s13] =	ssyncset.done $0x0  }
0x35: {  	[sflag:s13] =	ssyncadd.s32 $0xFFFFC000  }
0x36: {  	_ =	swait.ge [sflag:s13], $0x4000  }
.Ltmp1:
0x37: {  	[sflag:s13] =	ssyncset.done $0x0;
	(pc) =	sbr.rel @p0 .LBB2_1-.Ltmp1, $4  }
0x38: {  	[sflag:s13] =	ssyncadd.s32 $0xFFFFC000  }
0x39: {  	[hbm4b:s14+s2] =	stream.linear.scatter [tilespmem:s7], [sflag:$0x2], $0x10000, $0x38;
	[tilespmem:$0x10200] =	vst v63  }
0x3a: {  	_ =	swait.ge [sflag:s3], $0x10000  }
0x3b: {  	[sflag:s3] =	ssyncset.done $0x0  }
.LBB2_2:
0x3c: {  	[sflag:s3] =	ssyncadd.s32 $0xFFFF0000  }
0x3d: {  	_ =	sfence.sel $0x180000  }
0x3e: {  	[bflag:$0x0] =	sbarrier.arrive $0xFFFF  }
0x3f: {  	p0 =	sne.s32 s0, $0x0;
	_ =	strace $0x90000047  }
0x40: {  	s0 =	sadd.s32 @!p0 $0x100000, s1;
	[bflag:$0x2] =	sbarrier.arrive $0xFFFF  }
0x41: {  	[sflag:s0] =	ssyncadd.tile.s32 @!p0 $0x1;
	_ =	shalt  }
.Lfunc_end2:
_tile_overlayer_lowered:
.L_overlay_start_2:
0x42: {  	(tag) =	ssettag $0x2  }
0x43: {  	s0 =	rddreg [dreg:$0x0];
	s2 =	stileid.u32  }
0x44: {  	s1 =	rddreg [dreg:$0x1];
	p0 =	sne.s32 s2, $0x0  }
0x45: {  	s3 =	rddreg [dreg:$0x2];
	[bflag:$0x3] =	sbarrier.arrive $0xFFFF;
	s2 =	simm.s32 @!p0 $0x1C02  }
0x46: {  	[timem:s3], [sflag:s2] =	dma.local @!p0 [hbm:s0], s1  }
0x47: {  	s0 =	simm.s32 @!p0 $0x2  }
0x48: {  	_ =	swait.ge @!p0 [sflag:s0], s1  }
0x49: {  	s1 =	ssub.s32 @!p0 $0x0, s1;
	[sflag:s0] =	ssyncset.done @!p0 $0x0  }
0x4a: {  	[sflag:s0] =	ssyncadd.s32 @!p0 s1  }
0x4b: {  	[bflag:$0x3] =	sbarrier.arrive $0xFFFF  }
0x4c: {  	_ =	shalt  }

</sc_bundles>
